<compile_context>
chip_gen: v7x
topology: tpu7x:2x2x1
jax: 0.10.2.dev20260603
libtpu: 0.0.44.dev20260713+nightly
codegen_flags: <defaults>
</compile_context>

<pallas_src>
import jax
import jax.numpy as jnp
from jax import lax
from jax.experimental import pallas as pl
from jax.experimental.pallas import tpu as pltpu
from jax.experimental.pallas import tpu_sc as plsc

_S = 30.0
_M = 0.5
_NC = 2
_NS = 16
_NW = _NC * _NS
_L = 16
_ROWS = 1000
_COLS = 16384


def _sc_body(x_hbm, lab_hbm, out_hbm,
             in0, in1, o0, o1, labv, si0, si1, so0, so1):
    wid = lax.axis_index("s") * _NC + lax.axis_index("c")
    pltpu.sync_copy(lab_hbm, labv)
    ins, outs = (in0, in1), (o0, o1)
    sin, sout = (si0, si1), (so0, so1)

    t0 = wid
    @pl.when(t0 < _ROWS)
    def _():
        pltpu.async_copy(x_hbm.at[pl.ds(t0, 1)], ins[0], sin[0])

    @pl.loop(0, 16)
    def _pair(p):
        for b in range(2):
            m = p * 2 + b
            t = wid + m * _NW
            nxt = t + _NW

            @pl.when(nxt < _ROWS)
            def _():
                pltpu.async_copy(x_hbm.at[pl.ds(nxt, 1)], ins[1 - b],
                                 sin[1 - b])

            @pl.when(t < _ROWS)
            def _():
                pltpu.make_async_copy(x_hbm.at[pl.ds(t, 1)], ins[b],
                                      sin[b]).wait()

                @pl.when(m >= 2)
                def _():
                    pltpu.make_async_copy(
                        outs[b], out_hbm.at[pl.ds(t - 2 * _NW, 1)],
                        sout[b]).wait()

                @plsc.parallel_loop(0, _COLS // _L, unroll=8)
                def _col(j):
                    col = j * _L
                    x = ins[b][0, pl.ds(col, _L)]
                    outs[b][0, pl.ds(col, _L)] = x * (1.0 - _S) + (_S * _M)

                pltpu.async_copy(outs[b], out_hbm.at[pl.ds(t, 1)], sout[b])

    t_b0 = wid + 30 * _NW
    pltpu.make_async_copy(outs[0], out_hbm.at[pl.ds(t_b0, 1)], sout[0]).wait()
    t_b1_hi = wid + 31 * _NW
    t_b1_lo = wid + 29 * _NW

    @pl.when(t_b1_hi < _ROWS)
    def _():
        pltpu.make_async_copy(outs[1], out_hbm.at[pl.ds(t_b1_hi, 1)],
                              sout[1]).wait()

    @pl.when(t_b1_hi >= _ROWS)
    def _():
        pltpu.make_async_copy(outs[1], out_hbm.at[pl.ds(t_b1_lo, 1)],
                              sout[1]).wait()


def kernel(projected, labels, W):
    del W
    xt = projected.T
    out_t = pl.kernel(
        _sc_body,
        out_type=jax.ShapeDtypeStruct((_ROWS, _COLS), jnp.float32),
        mesh=plsc.VectorSubcoreMesh(core_axis_name="c", subcore_axis_name="s",
                                    num_cores=_NC, num_subcores=_NS),
        scratch_types=[
            pltpu.VMEM((1, _COLS), jnp.float32),
            pltpu.VMEM((1, _COLS), jnp.float32),
            pltpu.VMEM((1, _COLS), jnp.float32),
            pltpu.VMEM((1, _COLS), jnp.float32),
            pltpu.VMEM((_COLS,), jnp.int32),
            pltpu.SemaphoreType.DMA,
            pltpu.SemaphoreType.DMA,
            pltpu.SemaphoreType.DMA,
            pltpu.SemaphoreType.DMA,
        ],
    )(xt, labels)
    return out_t.T

# --- scband reference (transcript-rebuilt; emitter-appended) ---
"""Pipeline reference for scband-arc-face-50706383896897 (READ-ONLY COPY).

The authoritative reference and input builder live on the scoring server;
editing this copy changes nothing except your own understanding.
"""

import jax, jax.numpy as jnp
import numpy as np

S = 30.0
M = 0.5
IN_FEATURES = 128
OUT_FEATURES = 1000
BATCH = 16384


def setup_inputs(seed: int = 0) -> dict:
    key = jax.random.key(seed)
    k1, k2, k3 = jax.random.split(key, 3)
    projected = jax.random.normal(k1, (BATCH, OUT_FEATURES), dtype=jnp.float32)
    labels = jax.random.randint(k2, (BATCH,), 0, 1000, dtype=jnp.int64) if jax.config.jax_enable_x64 else jax.random.randint(k2, (BATCH,), 0, 1000, dtype=jnp.int32)
    # xavier-uniform init of the (unused in forward) ArcFace weight parameter
    limit = float(np.sqrt(6.0 / (IN_FEATURES + OUT_FEATURES)))
    W = jax.random.uniform(k3, (OUT_FEATURES, IN_FEATURES), dtype=jnp.float32, minval=-limit, maxval=limit)
    return {"projected": projected, "labels": labels, "W": W}


def reference(projected, labels, W):
    # phi_theta = projected - m
    phi_theta = projected - M
    # index = where(labels >= 0); output = zeros_like(projected)
    # output[index] = projected[index] - s * phi_theta[index]
    mask = (labels >= 0)[:, None]
    updated = projected - S * phi_theta
    output = jnp.where(mask, updated, jnp.zeros_like(projected))
    return output

if __name__ == "__main__":
    import jax
    _d = setup_inputs()
    print(jax.jit(kernel)(*tuple(_d.values())))

</pallas_src>

<mosaic_0001>
#map = affine_map<(d0, d1) -> (0, 0)>
#map1 = affine_map<(d0, d1) -> (0)>
module attributes {stable_mosaic.version = 14 : i64} {
  func.func @_sc_body(%arg0: i32, %arg1: i32, %arg2: memref<1000x16384xf32, #tpu.memory_space<hbm>>, %arg3: memref<16384xi32, #tpu.memory_space<hbm>>, %arg4: memref<1000x16384xf32, #tpu.memory_space<hbm>>, %arg5: memref<1x16384xf32, #tpu.memory_space<vmem>>, %arg6: memref<1x16384xf32, #tpu.memory_space<vmem>>, %arg7: memref<1x16384xf32, #tpu.memory_space<vmem>>, %arg8: memref<1x16384xf32, #tpu.memory_space<vmem>>, %arg9: memref<16384xi32, #tpu.memory_space<vmem>>, %arg10: memref<!tpu.dma_semaphore, #tpu.memory_space<semaphore_mem>>, %arg11: memref<!tpu.dma_semaphore, #tpu.memory_space<semaphore_mem>>, %arg12: memref<!tpu.dma_semaphore, #tpu.memory_space<semaphore_mem>>, %arg13: memref<!tpu.dma_semaphore, #tpu.memory_space<semaphore_mem>>) attributes {dimension_semantics = [#tpu.dimension_semantics<core_parallel>, #tpu.dimension_semantics<subcore_parallel>], iteration_bounds = array<i64: 2, 16>, scalar_prefetch = 0 : i64, scratch_operands = 9 : i64, tpu.core_type = #tpu.core_type<sc_vector_subcore>, window_params = [{transform_indices = #map}, {transform_indices = #map1}, {transform_indices = #map}]} {
    %mul3A = arith.constant 2 : i32
    %mul3A_0 = arith.muli %arg1, %mul3A : i32
    %add3A = arith.addi %mul3A_0, %arg0 : i32
    "tpu.region"() ({
      %run_scoped3A = tpu.sem_alloc : memref<!tpu.dma_semaphore, #tpu.memory_space<semaphore_mem>>
      tpu.enqueue_dma source(%arg3 : memref<16384xi32, #tpu.memory_space<hbm>>) target(%arg9 : memref<16384xi32, #tpu.memory_space<vmem>>) target_semaphore(%run_scoped3A : memref<!tpu.dma_semaphore, #tpu.memory_space<semaphore_mem>>)
      tpu.wait_dma2 semaphore(%run_scoped3A : memref<!tpu.dma_semaphore, #tpu.memory_space<semaphore_mem>>) src(%arg3 : memref<16384xi32, #tpu.memory_space<hbm>>) dst(%arg9 : memref<16384xi32, #tpu.memory_space<vmem>>)
      tpu.yield
    }) : () -> ()
    %lt3A = arith.constant 1000 : i32
    %lt3A_1 = arith.cmpi slt, %add3A, %lt3A : i32
    %convert_element_type3A = arith.extui %lt3A_1 : i1 to i32
    %cond3A = arith.constant 0 : i32
    %cond3A_2 = arith.cmpi ne, %convert_element_type3A, %cond3A : i32
    scf.if %cond3A_2 {
      %dma_start3A = arith.constant 0 : i32
      %dma_start3A_25 = tpu.memref_slice %arg2[%add3A, %dma_start3A] : memref<1000x16384xf32, #tpu.memory_space<hbm>> -> memref<1x16384xf32, #tpu.memory_space<hbm>>
      %dma_start3A_26 = arith.constant 0 : i32
      %dma_start3A_27 = tpu.memref_slice %arg2[%add3A, %dma_start3A_26] : memref<1000x16384xf32, #tpu.memory_space<hbm>> -> memref<1x16384xf32, #tpu.memory_space<hbm>>
      tpu.enqueue_dma source(%dma_start3A_27 : memref<1x16384xf32, #tpu.memory_space<hbm>>) target(%arg5 : memref<1x16384xf32, #tpu.memory_space<vmem>>) target_semaphore(%arg10 : memref<!tpu.dma_semaphore, #tpu.memory_space<semaphore_mem>>)
    } else {
    }
    %scan3A = arith.constant 0 : i32
    %scan3A_3 = arith.constant 16 : i32
    %scan3A_4 = arith.addi %scan3A, %scan3A_3 : i32
    %scan3A_5 = arith.constant 1 : i32
    scf.for %scan3A_25 = %scan3A to %scan3A_4 step %scan3A_5  : i32 {
      %mul3A_26 = arith.constant 1 : i32
      %mul3A_27 = arith.muli %scan3A_25, %mul3A_26 : i32
      %add3A_28 = arith.constant 0 : i32
      %add3A_29 = arith.addi %add3A_28, %mul3A_27 : i32
      %mul3A_30 = arith.constant 2 : i32
      %mul3A_31 = arith.muli %add3A_29, %mul3A_30 : i32
      %add3A_32 = arith.constant 0 : i32
      %add3A_33 = arith.addi %mul3A_31, %add3A_32 : i32
      %mul3A_34 = arith.constant 32 : i32
      %mul3A_35 = arith.muli %add3A_33, %mul3A_34 : i32
      %add3A_36 = arith.addi %add3A, %mul3A_35 : i32
      %add3A_37 = arith.constant 32 : i32
      %add3A_38 = arith.addi %add3A_36, %add3A_37 : i32
      %lt3A_39 = arith.constant 1000 : i32
      %lt3A_40 = arith.cmpi slt, %add3A_38, %lt3A_39 : i32
      %convert_element_type3A_41 = arith.extui %lt3A_40 : i1 to i32
      %cond3A_42 = arith.constant 0 : i32
      %cond3A_43 = arith.cmpi ne, %convert_element_type3A_41, %cond3A_42 : i32
      scf.if %cond3A_43 {
        %dma_start3A = arith.constant 0 : i32
        %dma_start3A_68 = tpu.memref_slice %arg2[%add3A_38, %dma_start3A] : memref<1000x16384xf32, #tpu.memory_space<hbm>> -> memref<1x16384xf32, #tpu.memory_space<hbm>>
        %dma_start3A_69 = arith.constant 0 : i32
        %dma_start3A_70 = tpu.memref_slice %arg2[%add3A_38, %dma_start3A_69] : memref<1000x16384xf32, #tpu.memory_space<hbm>> -> memref<1x16384xf32, #tpu.memory_space<hbm>>
        tpu.enqueue_dma source(%dma_start3A_70 : memref<1x16384xf32, #tpu.memory_space<hbm>>) target(%arg6 : memref<1x16384xf32, #tpu.memory_space<vmem>>) target_semaphore(%arg11 : memref<!tpu.dma_semaphore, #tpu.memory_space<semaphore_mem>>)
      } else {
      }
      %lt3A_44 = arith.constant 1000 : i32
      %lt3A_45 = arith.cmpi slt, %add3A_36, %lt3A_44 : i32
      %convert_element_type3A_46 = arith.extui %lt3A_45 : i1 to i32
      %cond3A_47 = arith.constant 0 : i32
      %cond3A_48 = arith.cmpi ne, %convert_element_type3A_46, %cond3A_47 : i32
      scf.if %cond3A_48 {
        %dma_wait3A_68 = arith.constant 0 : i32
        %dma_wait3A_69 = tpu.memref_slice %arg2[%add3A_36, %dma_wait3A_68] : memref<1000x16384xf32, #tpu.memory_space<hbm>> -> memref<1x16384xf32, #tpu.memory_space<hbm>>
        %dma_wait3A_70 = arith.constant 0 : i32
        %dma_wait3A_71 = tpu.memref_slice %arg2[%add3A_36, %dma_wait3A_70] : memref<1000x16384xf32, #tpu.memory_space<hbm>> -> memref<1x16384xf32, #tpu.memory_space<hbm>>
        tpu.wait_dma2 semaphore(%arg10 : memref<!tpu.dma_semaphore, #tpu.memory_space<semaphore_mem>>) src(%dma_wait3A_71 : memref<1x16384xf32, #tpu.memory_space<hbm>>) dst(%arg5 : memref<1x16384xf32, #tpu.memory_space<vmem>>)
        %ge3A_72 = arith.constant 2 : i32
        %ge3A_73 = arith.cmpi sge, %add3A_33, %ge3A_72 : i32
        %convert_element_type3A_74 = arith.extui %ge3A_73 : i1 to i32
        %cond3A_75 = arith.constant 0 : i32
        %cond3A_76 = arith.cmpi ne, %convert_element_type3A_74, %cond3A_75 : i32
        scf.if %cond3A_76 {
          %sub3A = arith.constant 64 : i32
          %sub3A_82 = arith.subi %add3A_36, %sub3A : i32
          %dma_wait3A_83 = arith.constant 0 : i32
          %dma_wait3A_84 = tpu.memref_slice %arg4[%sub3A_82, %dma_wait3A_83] : memref<1000x16384xf32, #tpu.memory_space<hbm>> -> memref<1x16384xf32, #tpu.memory_space<hbm>>
          %dma_wait3A_85 = arith.constant 0 : i32
          %dma_wait3A_86 = tpu.memref_slice %arg4[%sub3A_82, %dma_wait3A_85] : memref<1000x16384xf32, #tpu.memory_space<hbm>> -> memref<1x16384xf32, #tpu.memory_space<hbm>>
          tpu.wait_dma2 semaphore(%arg12 : memref<!tpu.dma_semaphore, #tpu.memory_space<semaphore_mem>>) src(%arg7 : memref<1x16384xf32, #tpu.memory_space<vmem>>) dst(%dma_wait3A_86 : memref<1x16384xf32, #tpu.memory_space<hbm>>)
        } else {
        }
        %parallel_loop3A = arith.constant 0 : i32
        %parallel_loop3A_77 = arith.constant 1024 : i32
        %parallel_loop3A_78 = arith.constant 1 : i32
        scf.for %parallel_loop3A_82 = %parallel_loop3A to %parallel_loop3A_77 step %parallel_loop3A_78  : i32 {
          %parallel_loop3A_83 = arith.constant 16 : i32
          %parallel_loop3A_84 = arith.muli %parallel_loop3A_82, %parallel_loop3A_83 : i32
          %parallel_loop3A_85 = arith.constant 0 : i32
          %parallel_loop3A_86 = arith.index_cast %parallel_loop3A_85 : i32 to index
          %parallel_loop3A_87 = arith.index_cast %parallel_loop3A_84 : i32 to index
          %parallel_loop3A_88 = tpu.vector_load %arg5[%parallel_loop3A_86, %parallel_loop3A_87] {strides = array<i32>} : memref<1x16384xf32, #tpu.memory_space<vmem>>, vector<1x16xf32>,
          %parallel_loop3A_89 = vector.shape_cast %parallel_loop3A_88 : vector<1x16xf32> to vector<16xf32>
          %parallel_loop3A_90 = arith.constant -2.900000e+01 : f32
          %parallel_loop3A_91 = vector.broadcast %parallel_loop3A_90 : f32 to vector<16xf32>
          %parallel_loop3A_92 = arith.mulf %parallel_loop3A_89, %parallel_loop3A_91 : vector<16xf32>
          %parallel_loop3A_93 = arith.constant 1.500000e+01 : f32
          %parallel_loop3A_94 = vector.broadcast %parallel_loop3A_93 : f32 to vector<16xf32>
          %parallel_loop3A_95 = arith.addf %parallel_loop3A_92, %parallel_loop3A_94 : vector<16xf32>
          %parallel_loop3A_96 = arith.constant 0 : i32
          %parallel_loop3A_97 = arith.index_cast %parallel_loop3A_96 : i32 to index
          %parallel_loop3A_98 = arith.index_cast %parallel_loop3A_84 : i32 to index
          %parallel_loop3A_99 = tpu.vector_load %arg7[%parallel_loop3A_97, %parallel_loop3A_98] {strides = array<i32>} : memref<1x16384xf32, #tpu.memory_space<vmem>>, vector<1x16xf32>,
          %parallel_loop3A_100 = vector.shape_cast %parallel_loop3A_99 : vector<1x16xf32> to vector<16xf32>
          %parallel_loop3A_101 = vector.shape_cast %parallel_loop3A_95 : vector<16xf32> to vector<1x16xf32>
          tpu.vector_store %arg7[%parallel_loop3A_97, %parallel_loop3A_98], %parallel_loop3A_101 {strides = array<i32>} : memref<1x16384xf32, #tpu.memory_space<vmem>>, vector<1x16xf32>,
        } {sc.loop_unroll_factor = 8 : i64, sc.parallel_access}
        %dma_start3A = arith.constant 0 : i32
        %dma_start3A_79 = tpu.memref_slice %arg4[%add3A_36, %dma_start3A] : memref<1000x16384xf32, #tpu.memory_space<hbm>> -> memref<1x16384xf32, #tpu.memory_space<hbm>>
        %dma_start3A_80 = arith.constant 0 : i32
        %dma_start3A_81 = tpu.memref_slice %arg4[%add3A_36, %dma_start3A_80] : memref<1000x16384xf32, #tpu.memory_space<hbm>> -> memref<1x16384xf32, #tpu.memory_space<hbm>>
        tpu.enqueue_dma source(%arg7 : memref<1x16384xf32, #tpu.memory_space<vmem>>) target(%dma_start3A_81 : memref<1x16384xf32, #tpu.memory_space<hbm>>) target_semaphore(%arg12 : memref<!tpu.dma_semaphore, #tpu.memory_space<semaphore_mem>>)
      } else {
      }
      %mul3A_49 = arith.constant 2 : i32
      %mul3A_50 = arith.muli %add3A_29, %mul3A_49 : i32
      %add3A_51 = arith.constant 1 : i32
      %add3A_52 = arith.addi %mul3A_50, %add3A_51 : i32
      %mul3A_53 = arith.constant 32 : i32
      %mul3A_54 = arith.muli %add3A_52, %mul3A_53 : i32
      %add3A_55 = arith.addi %add3A, %mul3A_54 : i32
      %add3A_56 = arith.constant 32 : i32
      %add3A_57 = arith.addi %add3A_55, %add3A_56 : i32
      %lt3A_58 = arith.constant 1000 : i32
      %lt3A_59 = arith.cmpi slt, %add3A_57, %lt3A_58 : i32
      %convert_element_type3A_60 = arith.extui %lt3A_59 : i1 to i32
      %cond3A_61 = arith.constant 0 : i32
      %cond3A_62 = arith.cmpi ne, %convert_element_type3A_60, %cond3A_61 : i32
      scf.if %cond3A_62 {
        %dma_start3A = arith.constant 0 : i32
        %dma_start3A_68 = tpu.memref_slice %arg2[%add3A_57, %dma_start3A] : memref<1000x16384xf32, #tpu.memory_space<hbm>> -> memref<1x16384xf32, #tpu.memory_space<hbm>>
        %dma_start3A_69 = arith.constant 0 : i32
        %dma_start3A_70 = tpu.memref_slice %arg2[%add3A_57, %dma_start3A_69] : memref<1000x16384xf32, #tpu.memory_space<hbm>> -> memref<1x16384xf32, #tpu.memory_space<hbm>>
        tpu.enqueue_dma source(%dma_start3A_70 : memref<1x16384xf32, #tpu.memory_space<hbm>>) target(%arg5 : memref<1x16384xf32, #tpu.memory_space<vmem>>) target_semaphore(%arg10 : memref<!tpu.dma_semaphore, #tpu.memory_space<semaphore_mem>>)
      } else {
      }
      %lt3A_63 = arith.constant 1000 : i32
      %lt3A_64 = arith.cmpi slt, %add3A_55, %lt3A_63 : i32
      %convert_element_type3A_65 = arith.extui %lt3A_64 : i1 to i32
      %cond3A_66 = arith.constant 0 : i32
      %cond3A_67 = arith.cmpi ne, %convert_element_type3A_65, %cond3A_66 : i32
      scf.if %cond3A_67 {
        %dma_wait3A_68 = arith.constant 0 : i32
        %dma_wait3A_69 = tpu.memref_slice %arg2[%add3A_55, %dma_wait3A_68] : memref<1000x16384xf32, #tpu.memory_space<hbm>> -> memref<1x16384xf32, #tpu.memory_space<hbm>>
        %dma_wait3A_70 = arith.constant 0 : i32
        %dma_wait3A_71 = tpu.memref_slice %arg2[%add3A_55, %dma_wait3A_70] : memref<1000x16384xf32, #tpu.memory_space<hbm>> -> memref<1x16384xf32, #tpu.memory_space<hbm>>
        tpu.wait_dma2 semaphore(%arg11 : memref<!tpu.dma_semaphore, #tpu.memory_space<semaphore_mem>>) src(%dma_wait3A_71 : memref<1x16384xf32, #tpu.memory_space<hbm>>) dst(%arg6 : memref<1x16384xf32, #tpu.memory_space<vmem>>)
        %ge3A_72 = arith.constant 2 : i32
        %ge3A_73 = arith.cmpi sge, %add3A_52, %ge3A_72 : i32
        %convert_element_type3A_74 = arith.extui %ge3A_73 : i1 to i32
        %cond3A_75 = arith.constant 0 : i32
        %cond3A_76 = arith.cmpi ne, %convert_element_type3A_74, %cond3A_75 : i32
        scf.if %cond3A_76 {
          %sub3A = arith.constant 64 : i32
          %sub3A_82 = arith.subi %add3A_55, %sub3A : i32
          %dma_wait3A_83 = arith.constant 0 : i32
          %dma_wait3A_84 = tpu.memref_slice %arg4[%sub3A_82, %dma_wait3A_83] : memref<1000x16384xf32, #tpu.memory_space<hbm>> -> memref<1x16384xf32, #tpu.memory_space<hbm>>
          %dma_wait3A_85 = arith.constant 0 : i32
          %dma_wait3A_86 = tpu.memref_slice %arg4[%sub3A_82, %dma_wait3A_85] : memref<1000x16384xf32, #tpu.memory_space<hbm>> -> memref<1x16384xf32, #tpu.memory_space<hbm>>
          tpu.wait_dma2 semaphore(%arg13 : memref<!tpu.dma_semaphore, #tpu.memory_space<semaphore_mem>>) src(%arg8 : memref<1x16384xf32, #tpu.memory_space<vmem>>) dst(%dma_wait3A_86 : memref<1x16384xf32, #tpu.memory_space<hbm>>)
        } else {
        }
        %parallel_loop3A = arith.constant 0 : i32
        %parallel_loop3A_77 = arith.constant 1024 : i32
        %parallel_loop3A_78 = arith.constant 1 : i32
        scf.for %parallel_loop3A_82 = %parallel_loop3A to %parallel_loop3A_77 step %parallel_loop3A_78  : i32 {
          %parallel_loop3A_83 = arith.constant 16 : i32
          %parallel_loop3A_84 = arith.muli %parallel_loop3A_82, %parallel_loop3A_83 : i32
          %parallel_loop3A_85 = arith.constant 0 : i32
          %parallel_loop3A_86 = arith.index_cast %parallel_loop3A_85 : i32 to index
          %parallel_loop3A_87 = arith.index_cast %parallel_loop3A_84 : i32 to index
          %parallel_loop3A_88 = tpu.vector_load %arg6[%parallel_loop3A_86, %parallel_loop3A_87] {strides = array<i32>} : memref<1x16384xf32, #tpu.memory_space<vmem>>, vector<1x16xf32>,
          %parallel_loop3A_89 = vector.shape_cast %parallel_loop3A_88 : vector<1x16xf32> to vector<16xf32>
          %parallel_loop3A_90 = arith.constant -2.900000e+01 : f32
          %parallel_loop3A_91 = vector.broadcast %parallel_loop3A_90 : f32 to vector<16xf32>
          %parallel_loop3A_92 = arith.mulf %parallel_loop3A_89, %parallel_loop3A_91 : vector<16xf32>
          %parallel_loop3A_93 = arith.constant 1.500000e+01 : f32
          %parallel_loop3A_94 = vector.broadcast %parallel_loop3A_93 : f32 to vector<16xf32>
          %parallel_loop3A_95 = arith.addf %parallel_loop3A_92, %parallel_loop3A_94 : vector<16xf32>
          %parallel_loop3A_96 = arith.constant 0 : i32
          %parallel_loop3A_97 = arith.index_cast %parallel_loop3A_96 : i32 to index
          %parallel_loop3A_98 = arith.index_cast %parallel_loop3A_84 : i32 to index
          %parallel_loop3A_99 = tpu.vector_load %arg8[%parallel_loop3A_97, %parallel_loop3A_98] {strides = array<i32>} : memref<1x16384xf32, #tpu.memory_space<vmem>>, vector<1x16xf32>,
          %parallel_loop3A_100 = vector.shape_cast %parallel_loop3A_99 : vector<1x16xf32> to vector<16xf32>
          %parallel_loop3A_101 = vector.shape_cast %parallel_loop3A_95 : vector<16xf32> to vector<1x16xf32>
          tpu.vector_store %arg8[%parallel_loop3A_97, %parallel_loop3A_98], %parallel_loop3A_101 {strides = array<i32>} : memref<1x16384xf32, #tpu.memory_space<vmem>>, vector<1x16xf32>,
        } {sc.loop_unroll_factor = 8 : i64, sc.parallel_access}
        %dma_start3A = arith.constant 0 : i32
        %dma_start3A_79 = tpu.memref_slice %arg4[%add3A_55, %dma_start3A] : memref<1000x16384xf32, #tpu.memory_space<hbm>> -> memref<1x16384xf32, #tpu.memory_space<hbm>>
        %dma_start3A_80 = arith.constant 0 : i32
        %dma_start3A_81 = tpu.memref_slice %arg4[%add3A_55, %dma_start3A_80] : memref<1000x16384xf32, #tpu.memory_space<hbm>> -> memref<1x16384xf32, #tpu.memory_space<hbm>>
        tpu.enqueue_dma source(%arg8 : memref<1x16384xf32, #tpu.memory_space<vmem>>) target(%dma_start3A_81 : memref<1x16384xf32, #tpu.memory_space<hbm>>) target_semaphore(%arg13 : memref<!tpu.dma_semaphore, #tpu.memory_space<semaphore_mem>>)
      } else {
      }
    }
    %scan3A_6 = arith.constant 16 : i32
    %add3A_7 = arith.constant 960 : i32
    %add3A_8 = arith.addi %add3A, %add3A_7 : i32
    %dma_wait3A = arith.constant 0 : i32
    %dma_wait3A_9 = tpu.memref_slice %arg4[%add3A_8, %dma_wait3A] : memref<1000x16384xf32, #tpu.memory_space<hbm>> -> memref<1x16384xf32, #tpu.memory_space<hbm>>
    %dma_wait3A_10 = arith.constant 0 : i32
    %dma_wait3A_11 = tpu.memref_slice %arg4[%add3A_8, %dma_wait3A_10] : memref<1000x16384xf32, #tpu.memory_space<hbm>> -> memref<1x16384xf32, #tpu.memory_space<hbm>>
    tpu.wait_dma2 semaphore(%arg12 : memref<!tpu.dma_semaphore, #tpu.memory_space<semaphore_mem>>) src(%arg7 : memref<1x16384xf32, #tpu.memory_space<vmem>>) dst(%dma_wait3A_11 : memref<1x16384xf32, #tpu.memory_space<hbm>>)
    %add3A_12 = arith.constant 992 : i32
    %add3A_13 = arith.addi %add3A, %add3A_12 : i32
    %add3A_14 = arith.constant 928 : i32
    %add3A_15 = arith.addi %add3A, %add3A_14 : i32
    %lt3A_16 = arith.constant 1000 : i32
    %lt3A_17 = arith.cmpi slt, %add3A_13, %lt3A_16 : i32
    %convert_element_type3A_18 = arith.extui %lt3A_17 : i1 to i32
    %cond3A_19 = arith.constant 0 : i32
    %cond3A_20 = arith.cmpi ne, %convert_element_type3A_18, %cond3A_19 : i32
    scf.if %cond3A_20 {
      %dma_wait3A_25 = arith.constant 0 : i32
      %dma_wait3A_26 = tpu.memref_slice %arg4[%add3A_13, %dma_wait3A_25] : memref<1000x16384xf32, #tpu.memory_space<hbm>> -> memref<1x16384xf32, #tpu.memory_space<hbm>>
      %dma_wait3A_27 = arith.constant 0 : i32
      %dma_wait3A_28 = tpu.memref_slice %arg4[%add3A_13, %dma_wait3A_27] : memref<1000x16384xf32, #tpu.memory_space<hbm>> -> memref<1x16384xf32, #tpu.memory_space<hbm>>
      tpu.wait_dma2 semaphore(%arg13 : memref<!tpu.dma_semaphore, #tpu.memory_space<semaphore_mem>>) src(%arg8 : memref<1x16384xf32, #tpu.memory_space<vmem>>) dst(%dma_wait3A_28 : memref<1x16384xf32, #tpu.memory_space<hbm>>)
    } else {
    }
    %ge3A = arith.constant 1000 : i32
    %ge3A_21 = arith.cmpi sge, %add3A_13, %ge3A : i32
    %convert_element_type3A_22 = arith.extui %ge3A_21 : i1 to i32
    %cond3A_23 = arith.constant 0 : i32
    %cond3A_24 = arith.cmpi ne, %convert_element_type3A_22, %cond3A_23 : i32
    scf.if %cond3A_24 {
      %dma_wait3A_25 = arith.constant 0 : i32
      %dma_wait3A_26 = tpu.memref_slice %arg4[%add3A_15, %dma_wait3A_25] : memref<1000x16384xf32, #tpu.memory_space<hbm>> -> memref<1x16384xf32, #tpu.memory_space<hbm>>
      %dma_wait3A_27 = arith.constant 0 : i32
      %dma_wait3A_28 = tpu.memref_slice %arg4[%add3A_15, %dma_wait3A_27] : memref<1000x16384xf32, #tpu.memory_space<hbm>> -> memref<1x16384xf32, #tpu.memory_space<hbm>>
      tpu.wait_dma2 semaphore(%arg13 : memref<!tpu.dma_semaphore, #tpu.memory_space<semaphore_mem>>) src(%arg8 : memref<1x16384xf32, #tpu.memory_space<vmem>>) dst(%dma_wait3A_28 : memref<1x16384xf32, #tpu.memory_space<hbm>>)
    } else {
    }
    return
  }
}

</mosaic_0001>

<sc_bundles>
// kernel: kernel.3.cloned.1.call-start
scs
__scs_entry_jumppad:
0x0: {  	(pc) =	sbr.rel $0x88, $3  }
0x1: {  	(tag) =	ssettag $0x0;
	lr =	simm.s32 $0x1  }
0x2: {  	[smem:$0x3F9F] =	sst lr;
	_ =	strace $0xD0000000  }
0x3: {  	_ = 	snop  }
0x4: {  	_ = 	snop  }
0x5: {  	_ = 	snop  }
0x6: {  	_ = 	snop  }
0x7: {  	_ = 	snop  }
__scs_overlays_trampoline_lowered:
0x8: {  	[smem:$0x3FAE] =	sst s0  }
0x9: {  	[smem:$0x3FAF] =	sst s1  }
0xa: {  	[smem:$0x3FB0] =	sst s2  }
0xb: {  	[smem:$0x3FB1] =	sst s3  }
0xc: {  	[smem:$0x3FB2] =	sst s4  }
0xd: {  	[smem:$0x3FB3] =	sst s5  }
0xe: {  	[smem:$0x3FB4] =	sst s6  }
0xf: {  	[smem:$0x3FB5] =	sst s7  }
0x10: {  	[smem:$0x3FB6] =	sst s8  }
0x11: {  	[smem:$0x3FB7] =	sst s9;
	s0 =	simm.s32 @!p0 $0x0  }
0x12: {  	s1 =	sld [smem:$0x3F9D];
	s0 =	simm.s32 @p0 $0x1  }
0x13: {  	[smem:$0x3FB8] =	sst s0;
	s0 =	simm.s32 @!p1 $0x0  }
0x14: {  	s2 =	sld [smem:$0x3F9C];
	s0 =	simm.s32 @p1 $0x1  }
0x15: {  	[smem:$0x3FB9] =	sst s0;
	s0 =	simm.s32 @!p2 $0x0  }
0x16: {  	s3 =	sld [smem:$0x3FDB];
	s0 =	simm.s32 @p2 $0x1  }
0x17: {  	s4 =	simm.s32 $0x1BF5;
	[smem:$0x3FBB] =	sst s0  }
0x18: {  	s0 =	sld [smem:$0x3F9E];
	_ =	swait.ge [sflag:s4], $0x0  }
0x19: {  	s7 =	sld [smem:$0x3F9F]  }
0x1a: {  	s8 =	sadd.s32 $0xFFFFE003, lr  }
0x1b: {  	s9 =	sadd.s32 $0xFFFFFEF7, lr;
	s5 =	simm.s32 $0xFFFFFFFF;
	p2 =	slt.u32 s8, $0xFFFFF086  }
0x1c: {  	p1 =	slt.u32 s9, $0xF7A;
	s5 =	simm.s32 @!p2 $0x0  }
0x1d: {  	s5 =	simm.s32 @p1 $0x1;
	p0 =	seq.s32 s7, s2  }
0x1e: {  	s7 =	smul.u32 @!p0 $0xF7A, s2;
	p2 =	seq.s32 @!p0 s5, $0x0  }
0x1f: {  	s9 =	smul.u32 $0xF7A, s1;
	s8 =	simm.s32 @!p0 $0x1BF5;
	p2 =	por !p2, p0  }
0x20: {  	[sflag:s8] =	ssyncset.s32 @!p0 $0xFFFFF086;
	s6 =	sadd.s32 @!p0 s3, s7;
	s7 =	simm.s32 @!p0 $0x108  }
0x21: {  	s3 =	sadd.s32 s3, s9;
	s6 =	sadd.s32 @!p0 $0x88, s6;
	s7 =	simm.s32 @p2 $0x1082  }
0x22: {  	[simem:s7], [sflag:s8] =	dma.local @!p0 [hbm:s6], $0xF7A  }
0x23: {  	s9 =	sor.u32 $0xD0000000, s2;
	s6 =	simm.s32 $0x108;
	_ =	swait.ge @!p0 [sflag:s8], $0x0  }
0x24: {  	s3 =	sadd.s32 $0x88, s3;
	s6 =	simm.s32 @!p1 $0x1082;
	[sflag:s4] =	ssyncset.s32 $0xFFFFF086  }
0x25: {  	[simem:s6], [sflag:s4] =	dma.local [hbm:s3], $0xF7A  }
0x26: {  	[smem:$0x3F9F] =	sst s1;
	(tag) =	ssettag s2;
	_ =	strace s9  }
0x27: {  	s1 =	sld [smem:$0x3FAF]  }
0x28: {  	s2 =	sld [smem:$0x3FB0]  }
0x29: {  	s4 =	sld [smem:$0x3FB2]  }
0x2a: {  	p0 =	seq.s32 s5, $0x0;
	s5 =	sld [smem:$0x3FB3]  }
0x2b: {  	s6 =	sld [smem:$0x3FB4]  }
0x2c: {  	s7 =	sld [smem:$0x3FB5]  }
0x2d: {  	s3 =	simm.s32 $0x108;
	s8 =	sld [smem:$0x3FB6]  }
0x2e: {  	s3 =	simm.s32 @!p0 $0x1082;
	s9 =	sld [smem:$0x3FB7]  }
0x2f: {  	lr =	sadd.s32 s0, s3;
	s0 =	sld [smem:$0x3FAE]  }
0x30: {  	s3 =	sld [smem:$0x3FB1]  }
0x31: {  	[smem:$0x3FBA] =	sst s10  }
0x32: {  	s10 =	sld [smem:$0x3FB8];
	_ =	sdelay $0x3  }
0x33: {  	p0 =	seq.s32 s10, $0x1;
	s10 =	sld [smem:$0x3FBA];
	_ =	sdelay $0x3  }
0x34: {  	[smem:$0x3FBA] =	sst s10  }
0x35: {  	s10 =	sld [smem:$0x3FB9];
	_ =	sdelay $0x3  }
0x36: {  	p1 =	seq.s32 s10, $0x1;
	s10 =	sld [smem:$0x3FBA];
	_ =	sdelay $0x3  }
0x37: {  	[smem:$0x3FBA] =	sst s10  }
0x38: {  	s10 =	sld [smem:$0x3FBB]  }
0x39: {  	_ = 	snop;
	(pc) =	sbr.ind lr, $3  }
0x3a: {  	_ = 	snop  }
0x3b: {  	_ = 	snop  }
0x3c: {  	p2 =	seq.s32 s10, $0x1;
	s10 =	sld [smem:$0x3FBA]  }
0x3d: {  	_ =	shalt  }
0x3e: {  	_ =	shalt  }
0x3f: {  	_ =	shalt  }
0x40: {  	_ =	shalt  }
0x41: {  	_ =	shalt  }
0x42: {  	_ =	shalt  }
0x43: {  	_ =	shalt  }
0x44: {  	_ =	shalt  }
0x45: {  	_ =	shalt  }
0x46: {  	_ =	shalt  }
0x47: {  	_ =	shalt  }
0x48: {  	_ =	shalt  }
0x49: {  	_ =	shalt  }
0x4a: {  	_ =	shalt  }
0x4b: {  	_ =	shalt  }
0x4c: {  	_ =	shalt  }
0x4d: {  	_ =	shalt  }
0x4e: {  	_ =	shalt  }
0x4f: {  	_ =	shalt  }
0x50: {  	_ =	shalt  }
0x51: {  	_ =	shalt  }
0x52: {  	_ =	shalt  }
0x53: {  	_ =	shalt  }
0x54: {  	_ =	shalt  }
0x55: {  	_ =	shalt  }
0x56: {  	_ =	shalt  }
0x57: {  	_ =	shalt  }
0x58: {  	_ =	shalt  }
0x59: {  	_ =	shalt  }
0x5a: {  	_ =	shalt  }
0x5b: {  	_ =	shalt  }
0x5c: {  	_ =	shalt  }
0x5d: {  	_ =	shalt  }
0x5e: {  	_ =	shalt  }
0x5f: {  	_ =	shalt  }
0x60: {  	_ =	shalt  }
0x61: {  	_ =	shalt  }
0x62: {  	_ =	shalt  }
0x63: {  	_ =	shalt  }
0x64: {  	_ =	shalt  }
0x65: {  	_ =	shalt  }
0x66: {  	_ =	shalt  }
0x67: {  	_ =	shalt  }
0x68: {  	_ =	shalt  }
0x69: {  	_ =	shalt  }
0x6a: {  	_ =	shalt  }
0x6b: {  	_ =	shalt  }
0x6c: {  	_ =	shalt  }
0x6d: {  	_ =	shalt  }
0x6e: {  	_ =	shalt  }
0x6f: {  	_ =	shalt  }
0x70: {  	_ =	shalt  }
0x71: {  	_ =	shalt  }
0x72: {  	_ =	shalt  }
0x73: {  	_ =	shalt  }
0x74: {  	_ =	shalt  }
0x75: {  	_ =	shalt  }
0x76: {  	_ =	shalt  }
0x77: {  	_ =	shalt  }
0x78: {  	_ =	shalt  }
0x79: {  	_ =	shalt  }
0x7a: {  	_ =	shalt  }
0x7b: {  	_ =	shalt  }
0x7c: {  	_ =	shalt  }
0x7d: {  	_ =	shalt  }
0x7e: {  	_ =	shalt  }
0x7f: {  	_ =	shalt  }
0x80: {  	_ =	shalt  }
0x81: {  	_ =	shalt  }
0x82: {  	_ =	shalt  }
0x83: {  	_ =	shalt  }
0x84: {  	_ =	shalt  }
0x85: {  	_ =	shalt  }
0x86: {  	_ =	shalt  }
0x87: {  	_ =	shalt  }
.Lfunc_end0:
.L_simem_size_0:
called_computation_lowered:
.L_overlay_start_0:
0x88: {  	s2 =	sld [smem:$0x3FD9]  }
0x89: {  	s3 =	sld [smem:$0x3FFE];
	_ =	sdelay $0x1  }
0x8a: {  	s1 =	srdreg.scid  }
0x8b: {  	s0 =	sand.u32 $0x1, s1  }
0x8c: {  	s18 =	sshll.u32 s0, $0xA;
	s2 =	sadd.s32 s3, s2  }
0x8d: {  	s2 =	sadd.s32 s2, s18  }
0x8e: {  	[smem:$0x3FC6] =	sst s2  }
0x8f: {  	_ = 	snop  }
0x90: {  	s2 =	sld [smem:$0x3FC9]  }
0x91: {  	s19 =	sld [smem:$0x3FC8]  }
0x92: {  	s4 =	sld [smem:$0x3FD0];
	(tm) =	ssettm $0x1  }
0x93: {  	s5 =	sld [smem:$0x3FFB];
	_ =	sdelay $0x3  }
0x94: {  	_ =	strace s5  }
0x95: {  	s5 =	sld [smem:$0x3FFC];
	_ =	sdelay $0x3  }
0x96: {  	_ =	strace s5  }
0x97: {  	s5 =	sld [smem:$0x3FFD];
	_ =	sdelay $0x3  }
0x98: {  	_ =	strace s5  }
0x99: {  	_ =	strace $0x8FFFFFFF  }
0x9a: {  	s20 =	sld [smem:$0x3FDB];
	_ =	sdelay $0x1  }
0x9b: {  	s6 =	simm.s32 $_scs_section_size  }
0x9c: {  	s7 =	simm.s32 $_size__tile_overlayer_lowered;
	s8 =	simm.s32 $_tile_overlayer_lowered  }
0x9d: {  	s23 =	simm.s32 $0x1BFF;
	s22 =	sshll.u32 s8, $0x1;
	s5 =	sadd.s32 s6, s20  }
0x9e: {  	s9 =	simm.s32 $0x0;
	s21 =	sshll.u32 s7, $0x1;
	s7 =	sadd.s32 s22, s5  }
0x9f: {  	[timem:s9], [sflag:s23] =	dma.local [hbm:s7], s21  }
0xa0: {  	_ =	swait.ge [sflag:s23], s21  }
0xa1: {  	s6 =	ssub.s32 $0x0, s21;
	[sflag:s23] =	ssyncset.done $0x0  }
0xa2: {  	[sflag:s23] =	ssyncadd.s32 s6;
	_ =	sdelay $0x1  }
0xa3: {  	s24 =	simm.s32 $0x1B8B  }
0xa4: {  	_ =	swait.ge [sflag:s24], $0x1  }
0xa5: {  	[sflag:s24] =	ssyncset.done $0x0  }
0xa6: {  	s25 =	simm.s32 $0x1B8E;
	[sflag:s24] =	ssyncadd.s32 $0xFFFFFFFF  }
0xa7: {  	s26 =	simm.s32 $execute0_lowered;
	[smem:$0x3FD2] =	sst s25  }
0xa8: {  	s6 =	sshll.u32 s26, $0x1;
	_ =	strace $0x80000046;
	[dreg:$0x1] =	wrdreg $0xFFFFFFFF  }
0xa9: {  	s28 =	simm.s32 $_size_execute0_lowered;
	s5 =	sadd.s32 s5, s6;
	[dreg:$0x0] =	wrdreg $0x0  }
0xaa: {  	s6 =	sshll.u32 s28, $0x1;
	[dreg:$0x2] =	wrdreg s5  }
0xab: {  	[dreg:$0x3] =	wrdreg s6  }
0xac: {  	[dreg:$0x4] =	wrdreg $0xC0  }
0xad: {  	_ =	task [dreg:s9], $0x5FFFF  }
0xae: {  	[dreg:$0x1] =	wrdreg $0xFFFFFFFF  }
0xaf: {  	[dreg:$0x0] =	wrdreg $0x60  }
0xb0: {  	[dreg:$0x2] =	wrdreg s2  }
0xb1: {  	[dreg:$0x3] =	wrdreg s19  }
0xb2: {  	[dreg:$0x4] =	wrdreg s4  }
0xb3: {  	[dreg:$0x5] =	wrdreg $0x9  }
0xb4: {  	_ =	task.clear_ibuf [dreg:s9], $0x6FFFF;
	_ =	strace $0x90000046  }
0xb5: {  	s29 =	simm.s32 $0x9;
	_ =	strace $0x80000048  }
0xb6: {  	_ =	swait.ge [sflag:s29], $0x1  }
0xb7: {  	[sflag:s29] =	ssyncadd.s32 $0xFFFFFFFF  }
0xb8: {  	_ =	strace $0x90000048  }
0xb9: {  	_ =	sfence  }
0xba: {  	s30 =	sld [smem:$0x0];
	_ =	sdelay $0x2  }
0xbb: {  	s31 =	sshll.u32 s1, $0xD;
	s1 =	sshrl.u32 s1, $0x2  }
0xbc: {  	s3 =	sand.u32 $0x4000, s31;
	s1 =	sadd.s32 s1, s30  }
0xbd: {  	s0 =	sor.u32 s3, s0;
	s1 =	sshll.u32 s1, $0x11  }
0xbe: {  	s0 =	sor.u32 s1, s0  }
0xbf: {  	s0 =	sadd.s32 $0x8F2B, s0  }
0xc0: {  	[sflag:s0] =	ssyncadd.remote.s32 $0x1  }
0xc1: {  	_ =	sfence.sel $0xFFFF  }
0xc2: {  	[dreg:$0x0] =	wrdreg $0xFFFFFFFF;
	(pc) =	sbr.abs _section_cstart, $3  }
0xc3: {  	[dreg:$0x1] =	wrdreg $0xFFFFFFFF  }
0xc4: {  	_ =	task.clear_ibuf [dreg:s9], $0x2FFFF;
	_ =	strace $0x9FFFFFFF  }
0xc5: {  	(tm) =	ssettm $0x7FFFFFFF  }
tec
execute0_lowered:
.L_overlay_start_1:
0x0: {  	(tag) =	ssettag $0x1  }
0x1: {  	s6 =	rddreg [dreg:$0x0]  }
0x2: {  	s1 =	rddreg [dreg:$0x1]  }
0x3: {  	s7 =	rddreg [dreg:$0x2]  }
0x4: {  	s0 =	rddreg [dreg:$0x3];
	s3 =	simm.s32 $0x0;
	s4 =	srdreg.scid  }
0x5: {  	s2 =	stileid.u32;
	s11 =	simm.s32 $0x80;
	s12 =	simm.s32 $0x400  }
0x6: {  	s13 =	simm.s32 $0x1;
	s14 =	simm.s32 $0x8000;
	s15 =	simm.s32 $0x2  }
0x7: {  	s16 =	simm.s32 $0xC000;
	s17 =	simm.s32 $0x3;
	s18 =	simm.s32 $0x4  }
0x8: {  	s19 =	simm.s32 $0x0;
	[smem:$0x7FF] =	sst s3;
	s4 =	sand.u32 $0x1, s4  }
0x9: {  	s5 =	sshll.u32 s2, $0x1;
	s30 =	sshll.u32 s2, $0xC;
	_ =	strace $0x80000047  }
.Ltmp0:
0xa: {  	s8 =	ssub.s32 $0x2, s4;
	s4 =	sor.u32 s4, s5;
	(pc) =	sbr.rel .LBB2_1-.Ltmp0, $4  }
0xb: {  	s5 =	sand.u32 $0xC000, s30;
	s9 =	sshrl.u32 s8, $0x1;
	s10 =	sshll.u32 s4, $0x4  }
0xc: {  	s5 =	sadd.s32 s6, s5;
	s8 =	ssub.s32 s8, s9;
	s31 =	sand.u32 $0x70, s10  }
0xd: {  	s9 =	simm.s32 $0x10000;
	s10 =	simm.s32 $0x5;
	s5 =	sadd.s32 s31, s5  }
0xe: {  	s6 =	sadd.s32 s6, s31;
	s7 =	sadd.s32 s7, s31;
	s8 =	smax.u32 s8, $0x1  }
.LBB2_12:
0xf: {  	s19 =	sadd.s32 $0x1, s19  }
0x10: {  	_ =	swait.ge [sflag:s17], $0x4000;
	p0 =	sne.s32 s19, s8  }
.Ltmp1:
0x11: {  	[sflag:s17] =	ssyncset.done $0x0;
	(pc) =	sbr.rel @!p0 .LBB2_13-.Ltmp1, $4  }
0x12: {  	[sflag:s17] =	ssyncadd.s32 $0xFFFFC000  }
0x13: {  	_ =	swait.ge [sflag:s18], $0x4000  }
0x14: {  	[sflag:s18] =	ssyncset.done $0x0  }
0x15: {  	[sflag:s18] =	ssyncadd.s32 $0xFFFFC000  }
.LBB2_1:
0x16: {  	[tilespmem:s9], [sflag:$0x5] =	stream.linear.gather [hbm4b:s1+s3], $0x4000, $0x38;
	[tilespmem:$0x14000] =	vst v63  }
.Ltmp2:
0x17: {  	_ = 	snop;
	(pc) =	sbr.rel .LBB2_2-.Ltmp2, $4  }
0x18: {  	_ =	swait.ge [sflag:s10], $0x4000  }
0x19: {  	[sflag:s10] =	ssyncset.done $0x0  }
0x1a: {  	s20 =	simm.s32 $0x0;
	[sflag:s10] =	ssyncadd.s32 $0xFFFFC000  }
0x1b: {  	[tilespmem:s3], [sflag:$0x1] =	stream.strided.gather [hbm4b:s5+s11], $0x4000, s12, s11, $0x38;
	[tilespmem:$0x14000] =	vst v63  }
.LBB2_11:
0x1c: {  	s20 =	sadd.s32 $0x1, s20  }
0x1d: {  	p0 =	sne.s32 s20, $0x10  }
.Ltmp3:
0x1e: {  	_ = 	snop;
	(pc) =	sbr.rel @!p0 .LBB2_12-.Ltmp3, $1  }
0x1f: {  	_ =	sdelay $0x3  }
.LBB2_2:
0x20: {  	s21 =	sshll.u32 s20, $0x6  }
0x21: {  	s23 =	sor.u32 s4, s21  }
0x22: {  	s21 =	sor.u32 $0x20, s23  }
0x23: {  	p1 =	sgt.u32 s21, $0x3E7  }
0x24: {  	s22 =	sshll.u32 @!p1 s21, $0xB  }
0x25: {  	s24 =	simm.s32 @!p1 $0x80;
	s22 =	sand.u32 @!p1 $0x1FC000, s22  }
0x26: {  	s25 =	simm.s32 @!p1 $0x400;
	s26 =	simm.s32 @!p1 $0x4000;
	s22 =	sadd.s32 @!p1 s22, s6  }
0x27: {  	[tilespmem:s26], [sflag:$0x2] =	stream.strided.gather @!p1 [hbm4b:s22+s24], $0x4000, s25, s24, $0x38;
	[tilespmem:$0x14000] =	vst v63  }
0x28: {  	_ =	swait.ge [sflag:s13], $0x4000  }
0x29: {  	p0 =	seq.s32 s20, $0x0;
	[sflag:s13] =	ssyncset.done $0x0  }
0x2a: {  	s22 =	simm.s32 @!p0 $0x3;
	[sflag:s13] =	ssyncadd.s32 $0xFFFFC000  }
0x2b: {  	_ =	swait.ge @!p0 [sflag:s22], $0x4000  }
0x2c: {  	[sflag:s22] =	ssyncset.done @!p0 $0x0  }
0x2d: {  	s30 =	simm.s32 $0x40;
	[sflag:s22] =	ssyncadd.s32 @!p0 $0xFFFFC000  }
0x2e: {  	v0 =	vld [tilespmem:s30+$0x30]  }
0x2f: {  	v1 =	vld [tilespmem:s30+$0xFFFFFFD0]  }
0x30: {  	v2 =	vld [tilespmem:s30+$0xFFFFFFE0]  }
0x31: {  	v3 =	vld [tilespmem:s30+$0xFFFFFFF0]  }
0x32: {  	v4 =	vld [tilespmem:s30+$0x0];
	_ =	sdelay $0x1  }
0x33: {  	v5 =	vld [tilespmem:s30+$0x10];
	v0 =	vmul.f32 $2.900000000e+01, v0  }
0x34: {  	v6 =	vld [tilespmem:s30+$0x20];
	v1 =	vmul.f32 $2.900000000e+01, v1  }
0x35: {  	s31 =	simm.s32 $0xC0;
	v7 =	vld [tilespmem:s30+$0xFFFFFFC0];
	v2 =	vmul.f32 $2.900000000e+01, v2;
	v0 =	vsub.f32 $1.500000000e+01, v0  }
0x36: {  	s22 =	simm.s32 $0x8040;
	v8 =	vld [tilespmem:s31+$0x30];
	v3 =	vmul.f32 $2.900000000e+01, v3;
	v4 =	vmul.f32 $2.900000000e+01, v4;
	v1 =	vsub.f32 $1.500000000e+01, v1  }
0x37: {  	v9 =	vld [tilespmem:s31+$0xFFFFFFD0];
	v10 =	vsub.f32 $1.500000000e+01, v2;
	[tilespmem:s22+$0x30] =	vst v0  }
0x38: {  	v11 =	vld [tilespmem:s31+$0xFFFFFFE0];
	v4 =	vsub.f32 $1.500000000e+01, v4;
	[tilespmem:s22+$0xFFFFFFD0] =	vst v1;
	v0 =	vsub.f32 $1.500000000e+01, v3;
	v3 =	vmul.f32 $2.900000000e+01, v5  }
0x39: {  	v2 =	vld [tilespmem:s31+$0xFFFFFFF0];
	[tilespmem:s22+$0xFFFFFFE0] =	vst v10;
	v5 =	vmul.f32 $2.900000000e+01, v6  }
0x3a: {  	v7 =	vmul.f32 $2.900000000e+01, v7;
	v1 =	vld [tilespmem:s31+$0x0];
	[tilespmem:s22+$0x0] =	vst v4;
	v6 =	vsub.f32 $1.500000000e+01, v3  }
0x3b: {  	v10 =	vmul.f32 $2.900000000e+01, v8;
	[tilespmem:s22+$0xFFFFFFF0] =	vst v0;
	v0 =	vld [tilespmem:s31+$0x10];
	v12 =	vsub.f32 $1.500000000e+01, v5  }
0x3c: {  	s23 =	sshll.u32 s23, $0xB;
	v8 =	vsub.f32 $1.500000000e+01, v7;
	v5 =	vmul.f32 $2.900000000e+01, v9;
	v3 =	vld [tilespmem:s31+$0x20];
	[tilespmem:s22+$0x10] =	vst v6  }
0x3d: {  	s23 =	sand.u32 $0x1EC000, s23;
	s24 =	simm.s32 $0x8;
	s25 =	simm.s32 $0x140;
	v4 =	vld [tilespmem:s31+$0xFFFFFFC0];
	v7 =	vmul.f32 $2.900000000e+01, v11;
	v6 =	vsub.f32 $1.500000000e+01, v10;
	[tilespmem:s22+$0x20] =	vst v12  }
.LBB2_3:
0x3e: {  	v9 =	vld [tilespmem:s25+$0x30];
	s24 =	sadd.s32 $0x8, s24;
	v5 =	vsub.f32 $1.500000000e+01, v5;
	v2 =	vmul.f32 $2.900000000e+01, v2;
	[tilespmem:s22+$0xFFFFFFC0] =	vst v8;
	s22 =	sadd.s32 $0x80, s22  }
0x3f: {  	v8 =	vld [tilespmem:s25+$0xFFFFFFD0];
	p2 =	slt.u32 s24, $0x3F8;
	v7 =	vsub.f32 $1.500000000e+01, v7;
	v1 =	vmul.f32 $2.900000000e+01, v1;
	[tilespmem:s22+$0x30] =	vst v6  }
0x40: {  	v6 =	vld [tilespmem:s25+$0xFFFFFFE0];
	[tilespmem:s22+$0xFFFFFFD0] =	vst v5;
	v5 =	vsub.f32 $1.500000000e+01, v2;
	v0 =	vmul.f32 $2.900000000e+01, v0  }
.Ltmp4:
0x41: {  	v2 =	vld [tilespmem:s25+$0xFFFFFFF0];
	[tilespmem:s22+$0xFFFFFFE0] =	vst v7;
	v7 =	vsub.f32 $1.500000000e+01, v1;
	v3 =	vmul.f32 $2.900000000e+01, v3;
	(pc) =	sbr.rel @p2 .LBB2_3-.Ltmp4, $4  }
0x42: {  	v1 =	vld [tilespmem:s25+$0x0];
	v4 =	vmul.f32 $2.900000000e+01, v4;
	[tilespmem:s22+$0xFFFFFFF0] =	vst v5;
	v10 =	vsub.f32 $1.500000000e+01, v0  }
0x43: {  	v0 =	vld [tilespmem:s25+$0x10];
	v9 =	vmul.f32 $2.900000000e+01, v9;
	[tilespmem:s22+$0x0] =	vst v7;
	v11 =	vsub.f32 $1.500000000e+01, v3  }
0x44: {  	v5 =	vmul.f32 $2.900000000e+01, v8;
	v3 =	vld [tilespmem:s25+$0x20];
	v8 =	vsub.f32 $1.500000000e+01, v4;
	[tilespmem:s22+$0x10] =	vst v10  }
0x45: {  	v4 =	vld [tilespmem:s25+$0xFFFFFFC0];
	v7 =	vmul.f32 $2.900000000e+01, v6;
	v6 =	vsub.f32 $1.500000000e+01, v9;
	s25 =	sadd.s32 $0x80, s25;
	[tilespmem:s22+$0x20] =	vst v11  }
0x46: {  	v5 =	vsub.f32 $1.500000000e+01, v5;
	v2 =	vmul.f32 $2.900000000e+01, v2;
	[tilespmem:s22+$0xFFFFFFC0] =	vst v8;
	s30 =	sadd.s32 $0x80, s22  }
0x47: {  	v7 =	vsub.f32 $1.500000000e+01, v7;
	v1 =	vmul.f32 $2.900000000e+01, v1;
	[tilespmem:s30+$0x30] =	vst v6  }
0x48: {  	[tilespmem:s30+$0xFFFFFFD0] =	vst v5;
	v2 =	vsub.f32 $1.500000000e+01, v2;
	v0 =	vmul.f32 $2.900000000e+01, v0  }
0x49: {  	[tilespmem:s30+$0xFFFFFFE0] =	vst v7;
	v1 =	vsub.f32 $1.500000000e+01, v1;
	v3 =	vmul.f32 $2.900000000e+01, v3  }
0x4a: {  	p2 =	sgt.u32 s21, $0x3C7;
	v4 =	vmul.f32 $2.900000000e+01, v4;
	[tilespmem:s30+$0xFFFFFFF0] =	vst v2;
	v0 =	vsub.f32 $1.500000000e+01, v0  }
.Ltmp5:
0x4b: {  	[tilespmem:s30+$0x0] =	vst v1;
	v62 =	vsub.f32 $1.500000000e+01, v3;
	(pc) =	sbr.rel @p2 .LBB2_6-.Ltmp5, $4  }
0x4c: {  	v63 =	vsub.f32 $1.500000000e+01, v4;
	[tilespmem:s30+$0x10] =	vst v0  }
0x4d: {  	[tilespmem:s30+$0x20] =	vst v62  }
0x4e: {  	s31 =	sadd.s32 s23, s7;
	[tilespmem:s30+$0xFFFFFFC0] =	vst v63  }
0x4f: {  	[hbm4b:s31+s11] =	stream.strided.scatter [tilespmem:s14], [sflag:$0x3], $0x4000, s12, s11, $0x38;
	[tilespmem:$0x14000] =	vst v63  }
.Ltmp6:
0x50: {  	s22 =	sshll.u32 s21, $0xB;
	(pc) =	sbr.rel .LBB2_8-.Ltmp6, $4  }
0x51: {  	s21 =	sadd.s32 $0x10000, s22  }
0x52: {  	s21 =	sand.u32 $0x3EC000, s21  }
0x53: {  	s21 =	sadd.s32 s21, s6  }
0x54: {  	[tilespmem:s3], [sflag:$0x1] =	stream.strided.gather [hbm4b:s21+s11], $0x4000, s12, s11, $0x38;
	[tilespmem:$0x14000] =	vst v63  }
.LBB2_6:
.Ltmp7:
0x55: {  	(pc) =	sbr.rel @p1 .LBB2_11-.Ltmp7, $1  }
0x56: {  	_ =	sdelay $0x3  }
0x57: {  	s22 =	sshll.u32 s21, $0xB  }
.LBB2_8:
0x58: {  	_ =	swait.ge [sflag:s15], $0x4000  }
0x59: {  	[sflag:s15] =	ssyncset.done $0x0  }
0x5a: {  	s21 =	simm.s32 @!p0 $0x4;
	[sflag:s15] =	ssyncadd.s32 $0xFFFFC000  }
0x5b: {  	_ =	swait.ge @!p0 [sflag:s21], $0x4000  }
0x5c: {  	[sflag:s21] =	ssyncset.done @!p0 $0x0  }
0x5d: {  	s31 =	simm.s32 $0x4040;
	[sflag:s21] =	ssyncadd.s32 @!p0 $0xFFFFC000  }
0x5e: {  	v0 =	vld [tilespmem:s31+$0x30]  }
0x5f: {  	v1 =	vld [tilespmem:s31+$0xFFFFFFD0]  }
0x60: {  	v2 =	vld [tilespmem:s31+$0xFFFFFFE0]  }
0x61: {  	v3 =	vld [tilespmem:s31+$0xFFFFFFF0]  }
0x62: {  	v4 =	vld [tilespmem:s31+$0x0];
	_ =	sdelay $0x1  }
0x63: {  	v5 =	vld [tilespmem:s31+$0x10];
	v0 =	vmul.f32 $2.900000000e+01, v0  }
0x64: {  	v6 =	vld [tilespmem:s31+$0x20];
	v1 =	vmul.f32 $2.900000000e+01, v1  }
0x65: {  	s24 =	simm.s32 $0x40C0;
	v7 =	vld [tilespmem:s31+$0xFFFFFFC0];
	v2 =	vmul.f32 $2.900000000e+01, v2;
	v0 =	vsub.f32 $1.500000000e+01, v0  }
0x66: {  	s21 =	simm.s32 $0xC040;
	v8 =	vld [tilespmem:s24+$0x30];
	v3 =	vmul.f32 $2.900000000e+01, v3;
	v4 =	vmul.f32 $2.900000000e+01, v4;
	v1 =	vsub.f32 $1.500000000e+01, v1  }
0x67: {  	v9 =	vld [tilespmem:s24+$0xFFFFFFD0];
	v10 =	vsub.f32 $1.500000000e+01, v2;
	[tilespmem:s21+$0x30] =	vst v0  }
0x68: {  	v11 =	vld [tilespmem:s24+$0xFFFFFFE0];
	v4 =	vsub.f32 $1.500000000e+01, v4;
	[tilespmem:s21+$0xFFFFFFD0] =	vst v1;
	v0 =	vsub.f32 $1.500000000e+01, v3;
	v3 =	vmul.f32 $2.900000000e+01, v5  }
0x69: {  	v2 =	vld [tilespmem:s24+$0xFFFFFFF0];
	[tilespmem:s21+$0xFFFFFFE0] =	vst v10;
	v5 =	vmul.f32 $2.900000000e+01, v6  }
0x6a: {  	v7 =	vmul.f32 $2.900000000e+01, v7;
	v1 =	vld [tilespmem:s24+$0x0];
	[tilespmem:s21+$0x0] =	vst v4;
	v6 =	vsub.f32 $1.500000000e+01, v3  }
0x6b: {  	v10 =	vmul.f32 $2.900000000e+01, v8;
	[tilespmem:s21+$0xFFFFFFF0] =	vst v0;
	v0 =	vld [tilespmem:s24+$0x10];
	v12 =	vsub.f32 $1.500000000e+01, v5  }
0x6c: {  	v8 =	vsub.f32 $1.500000000e+01, v7;
	v5 =	vmul.f32 $2.900000000e+01, v9;
	v3 =	vld [tilespmem:s24+$0x20];
	[tilespmem:s21+$0x10] =	vst v6  }
0x6d: {  	s22 =	sand.u32 $0x1FC000, s22;
	s23 =	simm.s32 $0x8;
	v4 =	vld [tilespmem:s24+$0xFFFFFFC0];
	v7 =	vmul.f32 $2.900000000e+01, v11;
	s24 =	simm.s32 $0x4140;
	v6 =	vsub.f32 $1.500000000e+01, v10;
	[tilespmem:s21+$0x20] =	vst v12  }
.LBB2_9:
0x6e: {  	v9 =	vld [tilespmem:s24+$0x30];
	s23 =	sadd.s32 $0x8, s23;
	v5 =	vsub.f32 $1.500000000e+01, v5;
	v2 =	vmul.f32 $2.900000000e+01, v2;
	[tilespmem:s21+$0xFFFFFFC0] =	vst v8;
	s21 =	sadd.s32 $0x80, s21  }
0x6f: {  	v8 =	vld [tilespmem:s24+$0xFFFFFFD0];
	p0 =	slt.u32 s23, $0x3F8;
	v7 =	vsub.f32 $1.500000000e+01, v7;
	v1 =	vmul.f32 $2.900000000e+01, v1;
	[tilespmem:s21+$0x30] =	vst v6  }
0x70: {  	v6 =	vld [tilespmem:s24+$0xFFFFFFE0];
	[tilespmem:s21+$0xFFFFFFD0] =	vst v5;
	v5 =	vsub.f32 $1.500000000e+01, v2;
	v0 =	vmul.f32 $2.900000000e+01, v0  }
.Ltmp8:
0x71: {  	v2 =	vld [tilespmem:s24+$0xFFFFFFF0];
	[tilespmem:s21+$0xFFFFFFE0] =	vst v7;
	v7 =	vsub.f32 $1.500000000e+01, v1;
	v3 =	vmul.f32 $2.900000000e+01, v3;
	(pc) =	sbr.rel @p0 .LBB2_9-.Ltmp8, $4  }
0x72: {  	v1 =	vld [tilespmem:s24+$0x0];
	v4 =	vmul.f32 $2.900000000e+01, v4;
	[tilespmem:s21+$0xFFFFFFF0] =	vst v5;
	v10 =	vsub.f32 $1.500000000e+01, v0  }
0x73: {  	v0 =	vld [tilespmem:s24+$0x10];
	v9 =	vmul.f32 $2.900000000e+01, v9;
	[tilespmem:s21+$0x0] =	vst v7;
	v11 =	vsub.f32 $1.500000000e+01, v3  }
0x74: {  	v5 =	vmul.f32 $2.900000000e+01, v8;
	v3 =	vld [tilespmem:s24+$0x20];
	v8 =	vsub.f32 $1.500000000e+01, v4;
	[tilespmem:s21+$0x10] =	vst v10  }
0x75: {  	v4 =	vld [tilespmem:s24+$0xFFFFFFC0];
	v7 =	vmul.f32 $2.900000000e+01, v6;
	v6 =	vsub.f32 $1.500000000e+01, v9;
	s24 =	sadd.s32 $0x80, s24;
	[tilespmem:s21+$0x20] =	vst v11  }
0x76: {  	v5 =	vsub.f32 $1.500000000e+01, v5;
	v2 =	vmul.f32 $2.900000000e+01, v2;
	[tilespmem:s21+$0xFFFFFFC0] =	vst v8;
	s30 =	sadd.s32 $0x80, s21  }
0x77: {  	v7 =	vsub.f32 $1.500000000e+01, v7;
	v1 =	vmul.f32 $2.900000000e+01, v1;
	[tilespmem:s30+$0x30] =	vst v6  }
0x78: {  	[tilespmem:s30+$0xFFFFFFD0] =	vst v5;
	v2 =	vsub.f32 $1.500000000e+01, v2;
	v0 =	vmul.f32 $2.900000000e+01, v0  }
0x79: {  	[tilespmem:s30+$0xFFFFFFE0] =	vst v7;
	v1 =	vsub.f32 $1.500000000e+01, v1;
	v3 =	vmul.f32 $2.900000000e+01, v3  }
0x7a: {  	v4 =	vmul.f32 $2.900000000e+01, v4;
	[tilespmem:s30+$0xFFFFFFF0] =	vst v2;
	v0 =	vsub.f32 $1.500000000e+01, v0  }
.Ltmp9:
0x7b: {  	[tilespmem:s30+$0x0] =	vst v1;
	v62 =	vsub.f32 $1.500000000e+01, v3;
	(pc) =	sbr.rel .LBB2_11-.Ltmp9, $4  }
0x7c: {  	v63 =	vsub.f32 $1.500000000e+01, v4;
	[tilespmem:s30+$0x10] =	vst v0  }
0x7d: {  	[tilespmem:s30+$0x20] =	vst v62  }
0x7e: {  	s31 =	sadd.s32 s22, s7;
	[tilespmem:s30+$0xFFFFFFC0] =	vst v63  }
0x7f: {  	[hbm4b:s31+s11] =	stream.strided.scatter [tilespmem:s16], [sflag:$0x4], $0x4000, s12, s11, $0x38;
	[tilespmem:$0x14000] =	vst v63  }
.LBB2_13:
0x80: {  	_ =	sfence.sel $0x180000  }
0x81: {  	[bflag:$0x0] =	sbarrier.arrive $0xFFFF  }
0x82: {  	p0 =	sne.s32 s2, $0x0;
	_ =	strace $0x90000047  }
0x83: {  	s0 =	sadd.s32 @!p0 $0x100000, s0;
	[bflag:$0x2] =	sbarrier.arrive $0xFFFF  }
0x84: {  	[sflag:s0] =	ssyncadd.tile.s32 @!p0 $0x1;
	_ =	shalt  }
.Lfunc_end2:
_tile_overlayer_lowered:
.L_overlay_start_2:
0x85: {  	(tag) =	ssettag $0x2  }
0x86: {  	s0 =	rddreg [dreg:$0x0];
	s2 =	stileid.u32  }
0x87: {  	s1 =	rddreg [dreg:$0x1];
	p0 =	sne.s32 s2, $0x0  }
0x88: {  	s3 =	rddreg [dreg:$0x2];
	[bflag:$0x3] =	sbarrier.arrive $0xFFFF;
	s2 =	simm.s32 @!p0 $0x1C05  }
0x89: {  	[timem:s3], [sflag:s2] =	dma.local @!p0 [hbm:s0], s1  }
0x8a: {  	s0 =	simm.s32 @!p0 $0x5  }
0x8b: {  	_ =	swait.ge @!p0 [sflag:s0], s1  }
0x8c: {  	s1 =	ssub.s32 @!p0 $0x0, s1;
	[sflag:s0] =	ssyncset.done @!p0 $0x0  }
0x8d: {  	[sflag:s0] =	ssyncadd.s32 @!p0 s1  }
0x8e: {  	[bflag:$0x3] =	sbarrier.arrive $0xFFFF  }
0x8f: {  	_ =	shalt  }

</sc_bundles>
